<compile_context>
chip_gen: v7x
topology: tpu7x:2x2x1
jax: 0.10.2.dev20260603
libtpu: 0.0.44.dev20260713+nightly
codegen_flags: <defaults>
</compile_context>

<pallas_src>
import functools

import jax
import jax.numpy as jnp
from jax import lax
from jax.experimental import pallas as pl
from jax.experimental.pallas import tpu as pltpu
from jax.experimental.pallas import tpu_sc as plsc

NUM_EMBEDD = 100000
EMBEDD_DIM = 128
MAX_NORM = 1.0

_NC = 2
_NS = 16
_NW = _NC * _NS
_B = 4096 * 50
_PER_W = _B // _NW
_CHUNK = 128
_NCHUNK = _PER_W // _CHUNK


def _rsqrt_newton(s):
    i = lax.bitcast_convert_type(s, jnp.int32)
    y = lax.bitcast_convert_type(jnp.int32(0x5F3759DF) - (i >> 1), jnp.float32)
    for _ in range(3):
        y = y * (jnp.float32(1.5) - jnp.float32(0.5) * s * y * y)
    return y


def _sc_body(x_hbm, w_hbm, out_hbm, idx_v, rows_v, sem):
    wid = lax.axis_index("s") * _NC + lax.axis_index("c")
    base = wid * _PER_W

    pltpu.sync_copy(x_hbm.at[wid], idx_v)

    def chunk_body(j, carry):
        pltpu.async_copy(w_hbm.at[idx_v.at[j]], rows_v, sem).wait()

        def row_body(r, c):
            vs = [rows_v[r, pl.ds(16 * k, 16)] for k in range(8)]
            acc = vs[0] * vs[0]
            for k in range(1, 8):
                acc = acc + vs[k] * vs[k]
            lanes = lax.iota(jnp.int32, 16)
            dnums = lax.GatherDimensionNumbers(
                offset_dims=(), collapsed_slice_dims=(0,), start_index_map=(0,))
            s = acc
            for sh in (8, 4, 2, 1):
                perm = (lanes ^ sh)[:, None]
                s = s + lax.gather(
                    s, perm, dnums, slice_sizes=(1,),
                    mode=lax.GatherScatterMode.PROMISE_IN_BOUNDS)
            y = _rsqrt_newton(s)
            norm = s * y
            scale = jnp.where(s > jnp.float32(MAX_NORM),
                              jnp.float32(MAX_NORM) / (norm + jnp.float32(1e-7)),
                              jnp.float32(1.0))
            for k in range(8):
                rows_v[r, pl.ds(16 * k, 16)] = vs[k] * scale
            return c

        lax.fori_loop(0, _CHUNK, row_body, 0)
        pltpu.sync_copy(rows_v, out_hbm.at[pl.ds(base + j * _CHUNK, _CHUNK)])
        return carry

    lax.fori_loop(0, _NCHUNK, chunk_body, 0)


@jax.jit
def _run(x2d, weight):
    mesh = plsc.VectorSubcoreMesh(core_axis_name="c", subcore_axis_name="s",
                                  num_cores=_NC, num_subcores=_NS)
    f = pl.kernel(
        _sc_body,
        out_type=jax.ShapeDtypeStruct((_B, EMBEDD_DIM), jnp.float32),
        mesh=mesh,
        scratch_types=[
            pltpu.VMEM((_NCHUNK, _CHUNK), jnp.int32),
            pltpu.VMEM((_CHUNK, EMBEDD_DIM), jnp.float32),
            pltpu.SemaphoreType.DMA,
        ],
    )
    return f(x2d, weight)


def kernel(x, weight):
    x2d = x.astype(jnp.int32).reshape(_NW, _NCHUNK, _CHUNK)
    out = _run(x2d, weight)
    return out.reshape(x.shape[0], x.shape[1], EMBEDD_DIM)

# --- scband reference (transcript-rebuilt; emitter-appended) ---
"""Pipeline reference for scband-hts-embedding-12335146074686 (READ-ONLY COPY).

The authoritative reference and input builder live on the scoring server;
editing this copy changes nothing except your own understanding.
"""

import jax, jax.numpy as jnp
import numpy as np

NUM_EMBEDD = 100000
EMBEDD_DIM = 128
MAX_NORM = 1.0  # torch: max_norm=True -> 1.0


def setup_inputs(seed: int = 0) -> dict:
    key = jax.random.key(seed)
    k1, k2 = jax.random.split(key)
    x = jax.random.randint(k1, (4096, 50), 0, NUM_EMBEDD, dtype=jnp.int64) if jax.config.read('jax_enable_x64') else jax.random.randint(k1, (4096, 50), 0, NUM_EMBEDD, dtype=jnp.int32)
    weight = jax.random.normal(k2, (NUM_EMBEDD, EMBEDD_DIM), dtype=jnp.float32)
    return {"x": x, "weight": weight}


def reference(x, weight):
    # nn.Embedding lookup: gather rows of the table
    emb = jnp.take(weight, x, axis=0)  # [B, L, D]
    # max_norm renormalization (norm_type=2): rows with L2-norm > max_norm are
    # rescaled to have norm == max_norm (torch.renorm semantics with eps 1e-7)
    norms = jnp.linalg.norm(emb, ord=2, axis=-1, keepdims=True)
    scale = jnp.where(norms > MAX_NORM, MAX_NORM / (norms + 1e-7), 1.0)
    return emb * scale

if __name__ == "__main__":
    import jax
    _d = setup_inputs()
    print(jax.jit(kernel)(*tuple(_d.values())))

</pallas_src>

<mosaic_0001>
#map = affine_map<(d0, d1) -> (0, 0, 0)>
#map1 = affine_map<(d0, d1) -> (0, 0)>
module attributes {stable_mosaic.version = 14 : i64} {
  func.func @_sc_body(%arg0: i32, %arg1: i32, %arg2: memref<32x50x128xi32, #tpu.memory_space<hbm>>, %arg3: memref<100000x128xf32, #tpu.memory_space<hbm>>, %arg4: memref<204800x128xf32, #tpu.memory_space<hbm>>, %arg5: memref<50x128xi32, #tpu.memory_space<vmem>>, %arg6: memref<128x128xf32, #tpu.memory_space<vmem>>, %arg7: memref<!tpu.dma_semaphore, #tpu.memory_space<semaphore_mem>>) attributes {dimension_semantics = [#tpu.dimension_semantics<core_parallel>, #tpu.dimension_semantics<subcore_parallel>], iteration_bounds = array<i64: 2, 16>, scalar_prefetch = 0 : i64, scratch_operands = 3 : i64, tpu.core_type = #tpu.core_type<sc_vector_subcore>, window_params = [{transform_indices = #map}, {transform_indices = #map1}, {transform_indices = #map1}]} {
    %mul3A = arith.constant 2 : i32
    %mul3A_0 = arith.muli %arg1, %mul3A : i32
    %add3A = arith.addi %mul3A_0, %arg0 : i32
    %mul3A_1 = arith.constant 6400 : i32
    %mul3A_2 = arith.muli %add3A, %mul3A_1 : i32
    "tpu.region"() ({
      %run_scoped3A = tpu.sem_alloc : memref<!tpu.dma_semaphore, #tpu.memory_space<semaphore_mem>>
      %dma_start3A = arith.constant 0 : i32
      %dma_start3A_8 = arith.constant 0 : i32
      %dma_start3A_9 = tpu.memref_slice %arg2[%add3A, %dma_start3A, %dma_start3A_8] : memref<32x50x128xi32, #tpu.memory_space<hbm>> -> memref<1x50x128xi32, #tpu.memory_space<hbm>>
      %dma_start3A_10 = tpu.memref_squeeze %dma_start3A_9 : memref<1x50x128xi32, #tpu.memory_space<hbm>> -> memref<50x128xi32, #tpu.memory_space<hbm>>
      %dma_start3A_11 = arith.constant 0 : i32
      %dma_start3A_12 = arith.constant 0 : i32
      %dma_start3A_13 = tpu.memref_slice %arg2[%add3A, %dma_start3A_11, %dma_start3A_12] : memref<32x50x128xi32, #tpu.memory_space<hbm>> -> memref<1x50x128xi32, #tpu.memory_space<hbm>>
      %dma_start3A_14 = tpu.memref_squeeze %dma_start3A_13 : memref<1x50x128xi32, #tpu.memory_space<hbm>> -> memref<50x128xi32, #tpu.memory_space<hbm>>
      tpu.enqueue_dma source(%dma_start3A_14 : memref<50x128xi32, #tpu.memory_space<hbm>>) target(%arg5 : memref<50x128xi32, #tpu.memory_space<vmem>>) target_semaphore(%run_scoped3A : memref<!tpu.dma_semaphore, #tpu.memory_space<semaphore_mem>>)
      %dma_wait3A = arith.constant 0 : i32
      %dma_wait3A_15 = arith.constant 0 : i32
      %dma_wait3A_16 = tpu.memref_slice %arg2[%add3A, %dma_wait3A, %dma_wait3A_15] : memref<32x50x128xi32, #tpu.memory_space<hbm>> -> memref<1x50x128xi32, #tpu.memory_space<hbm>>
      %dma_wait3A_17 = tpu.memref_squeeze %dma_wait3A_16 : memref<1x50x128xi32, #tpu.memory_space<hbm>> -> memref<50x128xi32, #tpu.memory_space<hbm>>
      %dma_wait3A_18 = arith.constant 0 : i32
      %dma_wait3A_19 = arith.constant 0 : i32
      %dma_wait3A_20 = tpu.memref_slice %arg2[%add3A, %dma_wait3A_18, %dma_wait3A_19] : memref<32x50x128xi32, #tpu.memory_space<hbm>> -> memref<1x50x128xi32, #tpu.memory_space<hbm>>
      %dma_wait3A_21 = tpu.memref_squeeze %dma_wait3A_20 : memref<1x50x128xi32, #tpu.memory_space<hbm>> -> memref<50x128xi32, #tpu.memory_space<hbm>>
      tpu.wait_dma2 semaphore(%run_scoped3A : memref<!tpu.dma_semaphore, #tpu.memory_space<semaphore_mem>>) src(%dma_wait3A_21 : memref<50x128xi32, #tpu.memory_space<hbm>>) dst(%arg5 : memref<50x128xi32, #tpu.memory_space<vmem>>)
      tpu.yield
    }) : () -> ()
    %scan3A = arith.constant 0 : i32
    %scan3A_3 = arith.constant 0 : i32
    %scan3A_4 = arith.constant 50 : i32
    %scan3A_5 = arith.addi %scan3A_3, %scan3A_4 : i32
    %scan3A_6 = arith.constant 1 : i32
    scf.for %scan3A_8 = %scan3A_3 to %scan3A_5 step %scan3A_6  : i32 {
      %dma_start3A = arith.constant 0 : i32
      %dma_start3A_9 = tpu.memref_slice %arg5[%scan3A_8, %dma_start3A] : memref<50x128xi32, #tpu.memory_space<vmem>> -> memref<1x128xi32, #tpu.memory_space<vmem>>
      %dma_start3A_10 = tpu.memref_squeeze %dma_start3A_9 : memref<1x128xi32, #tpu.memory_space<vmem>> -> memref<128xi32, #tpu.memory_space<vmem>>
      %dma_start3A_11 = arith.constant 0 : i32
      %dma_start3A_12 = arith.constant 0 : i32
      %dma_start3A_13 = tpu.memref_slice %arg3[%dma_start3A_11, %dma_start3A_12] : memref<100000x128xf32, #tpu.memory_space<hbm>> -> memref<100000x128xf32, #tpu.memory_space<hbm>>
      tpu.enqueue_indirect_dma source(%dma_start3A_13 : memref<100000x128xf32, #tpu.memory_space<hbm>>) target(%arg6 : memref<128x128xf32, #tpu.memory_space<vmem>>) offsets(%dma_start3A_10 : memref<128xi32, #tpu.memory_space<vmem>>) semaphore(%arg7 : memref<!tpu.dma_semaphore, #tpu.memory_space<semaphore_mem>>)
      %dma_wait3A = arith.constant 0 : i32
      %dma_wait3A_14 = tpu.memref_slice %arg5[%scan3A_8, %dma_wait3A] : memref<50x128xi32, #tpu.memory_space<vmem>> -> memref<1x128xi32, #tpu.memory_space<vmem>>
      %dma_wait3A_15 = tpu.memref_squeeze %dma_wait3A_14 : memref<1x128xi32, #tpu.memory_space<vmem>> -> memref<128xi32, #tpu.memory_space<vmem>>
      %dma_wait3A_16 = arith.constant 0 : i32
      %dma_wait3A_17 = arith.constant 0 : i32
      %dma_wait3A_18 = tpu.memref_slice %arg3[%dma_wait3A_16, %dma_wait3A_17] : memref<100000x128xf32, #tpu.memory_space<hbm>> -> memref<100000x128xf32, #tpu.memory_space<hbm>>
      tpu.wait_indirect_dma semaphore(%arg7 : memref<!tpu.dma_semaphore, #tpu.memory_space<semaphore_mem>>) src(%dma_wait3A_18 : memref<100000x128xf32, #tpu.memory_space<hbm>>) dst(%arg6 : memref<128x128xf32, #tpu.memory_space<vmem>>)
      %scan3A_19 = arith.constant 0 : i32
      %scan3A_20 = arith.constant 0 : i32
      %scan3A_21 = arith.constant 128 : i32
      %scan3A_22 = arith.addi %scan3A_20, %scan3A_21 : i32
      %scan3A_23 = arith.constant 1 : i32
      scf.for %scan3A_28 = %scan3A_20 to %scan3A_22 step %scan3A_23  : i32 {
        %get3A = arith.index_cast %scan3A_28 : i32 to index
        %get3A_29 = arith.constant 0 : index
        %get3A_30 = tpu.vector_load %arg6[%get3A, %get3A_29] {strides = array<i32>} : memref<128x128xf32, #tpu.memory_space<vmem>>, vector<1x16xf32>,
        %get3A_31 = vector.shape_cast %get3A_30 : vector<1x16xf32> to vector<16xf32>
        %get3A_32 = arith.index_cast %scan3A_28 : i32 to index
        %get3A_33 = arith.constant 16 : index
        %get3A_34 = tpu.vector_load %arg6[%get3A_32, %get3A_33] {strides = array<i32>} : memref<128x128xf32, #tpu.memory_space<vmem>>, vector<1x16xf32>,
        %get3A_35 = vector.shape_cast %get3A_34 : vector<1x16xf32> to vector<16xf32>
        %get3A_36 = arith.index_cast %scan3A_28 : i32 to index
        %get3A_37 = arith.constant 32 : index
        %get3A_38 = tpu.vector_load %arg6[%get3A_36, %get3A_37] {strides = array<i32>} : memref<128x128xf32, #tpu.memory_space<vmem>>, vector<1x16xf32>,
        %get3A_39 = vector.shape_cast %get3A_38 : vector<1x16xf32> to vector<16xf32>
        %get3A_40 = arith.index_cast %scan3A_28 : i32 to index
        %get3A_41 = arith.constant 48 : index
        %get3A_42 = tpu.vector_load %arg6[%get3A_40, %get3A_41] {strides = array<i32>} : memref<128x128xf32, #tpu.memory_space<vmem>>, vector<1x16xf32>,
        %get3A_43 = vector.shape_cast %get3A_42 : vector<1x16xf32> to vector<16xf32>
        %get3A_44 = arith.index_cast %scan3A_28 : i32 to index
        %get3A_45 = arith.constant 64 : index
        %get3A_46 = tpu.vector_load %arg6[%get3A_44, %get3A_45] {strides = array<i32>} : memref<128x128xf32, #tpu.memory_space<vmem>>, vector<1x16xf32>,
        %get3A_47 = vector.shape_cast %get3A_46 : vector<1x16xf32> to vector<16xf32>
        %get3A_48 = arith.index_cast %scan3A_28 : i32 to index
        %get3A_49 = arith.constant 80 : index
        %get3A_50 = tpu.vector_load %arg6[%get3A_48, %get3A_49] {strides = array<i32>} : memref<128x128xf32, #tpu.memory_space<vmem>>, vector<1x16xf32>,
        %get3A_51 = vector.shape_cast %get3A_50 : vector<1x16xf32> to vector<16xf32>
        %get3A_52 = arith.index_cast %scan3A_28 : i32 to index
        %get3A_53 = arith.constant 96 : index
        %get3A_54 = tpu.vector_load %arg6[%get3A_52, %get3A_53] {strides = array<i32>} : memref<128x128xf32, #tpu.memory_space<vmem>>, vector<1x16xf32>,
        %get3A_55 = vector.shape_cast %get3A_54 : vector<1x16xf32> to vector<16xf32>
        %get3A_56 = arith.index_cast %scan3A_28 : i32 to index
        %get3A_57 = arith.constant 112 : index
        %get3A_58 = tpu.vector_load %arg6[%get3A_56, %get3A_57] {strides = array<i32>} : memref<128x128xf32, #tpu.memory_space<vmem>>, vector<1x16xf32>,
        %get3A_59 = vector.shape_cast %get3A_58 : vector<1x16xf32> to vector<16xf32>
        %mul3A_60 = arith.mulf %get3A_31, %get3A_31 : vector<16xf32>
        %mul3A_61 = arith.mulf %get3A_35, %get3A_35 : vector<16xf32>
        %add3A_62 = arith.addf %mul3A_60, %mul3A_61 : vector<16xf32>
        %mul3A_63 = arith.mulf %get3A_39, %get3A_39 : vector<16xf32>
        %add3A_64 = arith.addf %add3A_62, %mul3A_63 : vector<16xf32>
        %mul3A_65 = arith.mulf %get3A_43, %get3A_43 : vector<16xf32>
        %add3A_66 = arith.addf %add3A_64, %mul3A_65 : vector<16xf32>
        %mul3A_67 = arith.mulf %get3A_47, %get3A_47 : vector<16xf32>
        %add3A_68 = arith.addf %add3A_66, %mul3A_67 : vector<16xf32>
        %mul3A_69 = arith.mulf %get3A_51, %get3A_51 : vector<16xf32>
        %add3A_70 = arith.addf %add3A_68, %mul3A_69 : vector<16xf32>
        %mul3A_71 = arith.mulf %get3A_55, %get3A_55 : vector<16xf32>
        %add3A_72 = arith.addf %add3A_70, %mul3A_71 : vector<16xf32>
        %mul3A_73 = arith.mulf %get3A_59, %get3A_59 : vector<16xf32>
        %add3A_74 = arith.addf %add3A_72, %mul3A_73 : vector<16xf32>
        %iota3A = tpu.iota {dimensions = array<i32: 0>} : vector<16xi32>
        %xor3A = arith.constant 8 : i32
        %xor3A_75 = vector.broadcast %xor3A : i32 to vector<16xi32>
        %xor3A_76 = arith.xori %iota3A, %xor3A_75 : vector<16xi32>
        %broadcast_in_dim3A = vector.shape_cast %xor3A_76 : vector<16xi32> to vector<16x1xi32>
        %gather3A = vector.shape_cast %broadcast_in_dim3A : vector<16x1xi32> to vector<16xi32>
        %gather3A_77 = tpu.dynamic_gather %add3A_74[%gather3A] in [0] : vector<16xf32>, vector<16xi32> -> vector<16xf32>
        %add3A_78 = arith.addf %add3A_74, %gather3A_77 : vector<16xf32>
        %xor3A_79 = arith.constant 4 : i32
        %xor3A_80 = vector.broadcast %xor3A_79 : i32 to vector<16xi32>
        %xor3A_81 = arith.xori %iota3A, %xor3A_80 : vector<16xi32>
        %broadcast_in_dim3A_82 = vector.shape_cast %xor3A_81 : vector<16xi32> to vector<16x1xi32>
        %gather3A_83 = vector.shape_cast %broadcast_in_dim3A_82 : vector<16x1xi32> to vector<16xi32>
        %gather3A_84 = tpu.dynamic_gather %add3A_78[%gather3A_83] in [0] : vector<16xf32>, vector<16xi32> -> vector<16xf32>
        %add3A_85 = arith.addf %add3A_78, %gather3A_84 : vector<16xf32>
        %xor3A_86 = arith.constant 2 : i32
        %xor3A_87 = vector.broadcast %xor3A_86 : i32 to vector<16xi32>
        %xor3A_88 = arith.xori %iota3A, %xor3A_87 : vector<16xi32>
        %broadcast_in_dim3A_89 = vector.shape_cast %xor3A_88 : vector<16xi32> to vector<16x1xi32>
        %gather3A_90 = vector.shape_cast %broadcast_in_dim3A_89 : vector<16x1xi32> to vector<16xi32>
        %gather3A_91 = tpu.dynamic_gather %add3A_85[%gather3A_90] in [0] : vector<16xf32>, vector<16xi32> -> vector<16xf32>
        %add3A_92 = arith.addf %add3A_85, %gather3A_91 : vector<16xf32>
        %xor3A_93 = arith.constant 1 : i32
        %xor3A_94 = vector.broadcast %xor3A_93 : i32 to vector<16xi32>
        %xor3A_95 = arith.xori %iota3A, %xor3A_94 : vector<16xi32>
        %broadcast_in_dim3A_96 = vector.shape_cast %xor3A_95 : vector<16xi32> to vector<16x1xi32>
        %gather3A_97 = vector.shape_cast %broadcast_in_dim3A_96 : vector<16x1xi32> to vector<16xi32>
        %gather3A_98 = tpu.dynamic_gather %add3A_92[%gather3A_97] in [0] : vector<16xf32>, vector<16xi32> -> vector<16xf32>
        %add3A_99 = arith.addf %add3A_92, %gather3A_98 : vector<16xf32>
        %bitcast_convert_type3A = tpu.bitcast %add3A_99 : vector<16xf32> -> vector<16xi32>
        %shift_right_arithmetic3A = arith.constant 1 : i32
        %shift_right_arithmetic3A_100 = vector.broadcast %shift_right_arithmetic3A : i32 to vector<16xi32>
        %shift_right_arithmetic3A_101 = arith.shrsi %bitcast_convert_type3A, %shift_right_arithmetic3A_100 : vector<16xi32>
        %sub3A = arith.constant 1597463007 : i32
        %sub3A_102 = vector.broadcast %sub3A : i32 to vector<16xi32>
        %sub3A_103 = arith.subi %sub3A_102, %shift_right_arithmetic3A_101 : vector<16xi32>
        %bitcast_convert_type3A_104 = tpu.bitcast %sub3A_103 : vector<16xi32> -> vector<16xf32>
        %mul3A_105 = arith.constant 5.000000e-01 : f32
        %mul3A_106 = vector.broadcast %mul3A_105 : f32 to vector<16xf32>
        %mul3A_107 = arith.mulf %mul3A_106, %add3A_99 : vector<16xf32>
        %mul3A_108 = arith.mulf %mul3A_107, %bitcast_convert_type3A_104 : vector<16xf32>
        %mul3A_109 = arith.mulf %mul3A_108, %bitcast_convert_type3A_104 : vector<16xf32>
        %sub3A_110 = arith.constant 1.500000e+00 : f32
        %sub3A_111 = vector.broadcast %sub3A_110 : f32 to vector<16xf32>
        %sub3A_112 = arith.subf %sub3A_111, %mul3A_109 : vector<16xf32>
        %mul3A_113 = arith.mulf %bitcast_convert_type3A_104, %sub3A_112 : vector<16xf32>
        %mul3A_114 = arith.constant 5.000000e-01 : f32
        %mul3A_115 = vector.broadcast %mul3A_114 : f32 to vector<16xf32>
        %mul3A_116 = arith.mulf %mul3A_115, %add3A_99 : vector<16xf32>
        %mul3A_117 = arith.mulf %mul3A_116, %mul3A_113 : vector<16xf32>
        %mul3A_118 = arith.mulf %mul3A_117, %mul3A_113 : vector<16xf32>
        %sub3A_119 = arith.constant 1.500000e+00 : f32
        %sub3A_120 = vector.broadcast %sub3A_119 : f32 to vector<16xf32>
        %sub3A_121 = arith.subf %sub3A_120, %mul3A_118 : vector<16xf32>
        %mul3A_122 = arith.mulf %mul3A_113, %sub3A_121 : vector<16xf32>
        %mul3A_123 = arith.constant 5.000000e-01 : f32
        %mul3A_124 = vector.broadcast %mul3A_123 : f32 to vector<16xf32>
        %mul3A_125 = arith.mulf %mul3A_124, %add3A_99 : vector<16xf32>
        %mul3A_126 = arith.mulf %mul3A_125, %mul3A_122 : vector<16xf32>
        %mul3A_127 = arith.mulf %mul3A_126, %mul3A_122 : vector<16xf32>
        %sub3A_128 = arith.constant 1.500000e+00 : f32
        %sub3A_129 = vector.broadcast %sub3A_128 : f32 to vector<16xf32>
        %sub3A_130 = arith.subf %sub3A_129, %mul3A_127 : vector<16xf32>
        %mul3A_131 = arith.mulf %mul3A_122, %sub3A_130 : vector<16xf32>
        %mul3A_132 = arith.mulf %add3A_99, %mul3A_131 : vector<16xf32>
        %gt3A = arith.constant 1.000000e+00 : f32
        %gt3A_133 = vector.broadcast %gt3A : f32 to vector<16xf32>
        %gt3A_134 = arith.cmpf ogt, %add3A_99, %gt3A_133 : vector<16xf32>
        %add3A_135 = arith.constant 1.000000e-07 : f32
        %add3A_136 = vector.broadcast %add3A_135 : f32 to vector<16xf32>
        %add3A_137 = arith.addf %mul3A_132, %add3A_136 : vector<16xf32>
        %div3A = arith.constant 1.000000e+00 : f32
        %div3A_138 = vector.broadcast %div3A : f32 to vector<16xf32>
        %div3A_139 = arith.divf %div3A_138, %add3A_137 : vector<16xf32>
        %jit3A = arith.constant 1.000000e+00 : f32
        %broadcast_in_dim3A_140 = vector.broadcast %jit3A : f32 to vector<16xf32>
        %select_n3A = arith.select %gt3A_134, %div3A_139, %broadcast_in_dim3A_140 : vector<16xi1>, vector<16xf32>
        %mul3A_141 = arith.mulf %get3A_31, %select_n3A : vector<16xf32>
        %swap3A = arith.index_cast %scan3A_28 : i32 to index
        %swap3A_142 = arith.constant 0 : index
        %swap3A_143 = tpu.vector_load %arg6[%swap3A, %swap3A_142] {strides = array<i32>} : memref<128x128xf32, #tpu.memory_space<vmem>>, vector<1x16xf32>,
        %swap3A_144 = vector.shape_cast %swap3A_143 : vector<1x16xf32> to vector<16xf32>
        %swap3A_145 = vector.shape_cast %mul3A_141 : vector<16xf32> to vector<1x16xf32>
        tpu.vector_store %arg6[%swap3A, %swap3A_142], %swap3A_145 {strides = array<i32>} : memref<128x128xf32, #tpu.memory_space<vmem>>, vector<1x16xf32>,
        %mul3A_146 = arith.mulf %get3A_35, %select_n3A : vector<16xf32>
        %swap3A_147 = arith.index_cast %scan3A_28 : i32 to index
        %swap3A_148 = arith.constant 16 : index
        %swap3A_149 = tpu.vector_load %arg6[%swap3A_147, %swap3A_148] {strides = array<i32>} : memref<128x128xf32, #tpu.memory_space<vmem>>, vector<1x16xf32>,
        %swap3A_150 = vector.shape_cast %swap3A_149 : vector<1x16xf32> to vector<16xf32>
        %swap3A_151 = vector.shape_cast %mul3A_146 : vector<16xf32> to vector<1x16xf32>
        tpu.vector_store %arg6[%swap3A_147, %swap3A_148], %swap3A_151 {strides = array<i32>} : memref<128x128xf32, #tpu.memory_space<vmem>>, vector<1x16xf32>,
        %mul3A_152 = arith.mulf %get3A_39, %select_n3A : vector<16xf32>
        %swap3A_153 = arith.index_cast %scan3A_28 : i32 to index
        %swap3A_154 = arith.constant 32 : index
        %swap3A_155 = tpu.vector_load %arg6[%swap3A_153, %swap3A_154] {strides = array<i32>} : memref<128x128xf32, #tpu.memory_space<vmem>>, vector<1x16xf32>,
        %swap3A_156 = vector.shape_cast %swap3A_155 : vector<1x16xf32> to vector<16xf32>
        %swap3A_157 = vector.shape_cast %mul3A_152 : vector<16xf32> to vector<1x16xf32>
        tpu.vector_store %arg6[%swap3A_153, %swap3A_154], %swap3A_157 {strides = array<i32>} : memref<128x128xf32, #tpu.memory_space<vmem>>, vector<1x16xf32>,
        %mul3A_158 = arith.mulf %get3A_43, %select_n3A : vector<16xf32>
        %swap3A_159 = arith.index_cast %scan3A_28 : i32 to index
        %swap3A_160 = arith.constant 48 : index
        %swap3A_161 = tpu.vector_load %arg6[%swap3A_159, %swap3A_160] {strides = array<i32>} : memref<128x128xf32, #tpu.memory_space<vmem>>, vector<1x16xf32>,
        %swap3A_162 = vector.shape_cast %swap3A_161 : vector<1x16xf32> to vector<16xf32>
        %swap3A_163 = vector.shape_cast %mul3A_158 : vector<16xf32> to vector<1x16xf32>
        tpu.vector_store %arg6[%swap3A_159, %swap3A_160], %swap3A_163 {strides = array<i32>} : memref<128x128xf32, #tpu.memory_space<vmem>>, vector<1x16xf32>,
        %mul3A_164 = arith.mulf %get3A_47, %select_n3A : vector<16xf32>
        %swap3A_165 = arith.index_cast %scan3A_28 : i32 to index
        %swap3A_166 = arith.constant 64 : index
        %swap3A_167 = tpu.vector_load %arg6[%swap3A_165, %swap3A_166] {strides = array<i32>} : memref<128x128xf32, #tpu.memory_space<vmem>>, vector<1x16xf32>,
        %swap3A_168 = vector.shape_cast %swap3A_167 : vector<1x16xf32> to vector<16xf32>
        %swap3A_169 = vector.shape_cast %mul3A_164 : vector<16xf32> to vector<1x16xf32>
        tpu.vector_store %arg6[%swap3A_165, %swap3A_166], %swap3A_169 {strides = array<i32>} : memref<128x128xf32, #tpu.memory_space<vmem>>, vector<1x16xf32>,
        %mul3A_170 = arith.mulf %get3A_51, %select_n3A : vector<16xf32>
        %swap3A_171 = arith.index_cast %scan3A_28 : i32 to index
        %swap3A_172 = arith.constant 80 : index
        %swap3A_173 = tpu.vector_load %arg6[%swap3A_171, %swap3A_172] {strides = array<i32>} : memref<128x128xf32, #tpu.memory_space<vmem>>, vector<1x16xf32>,
        %swap3A_174 = vector.shape_cast %swap3A_173 : vector<1x16xf32> to vector<16xf32>
        %swap3A_175 = vector.shape_cast %mul3A_170 : vector<16xf32> to vector<1x16xf32>
        tpu.vector_store %arg6[%swap3A_171, %swap3A_172], %swap3A_175 {strides = array<i32>} : memref<128x128xf32, #tpu.memory_space<vmem>>, vector<1x16xf32>,
        %mul3A_176 = arith.mulf %get3A_55, %select_n3A : vector<16xf32>
        %swap3A_177 = arith.index_cast %scan3A_28 : i32 to index
        %swap3A_178 = arith.constant 96 : index
        %swap3A_179 = tpu.vector_load %arg6[%swap3A_177, %swap3A_178] {strides = array<i32>} : memref<128x128xf32, #tpu.memory_space<vmem>>, vector<1x16xf32>,
        %swap3A_180 = vector.shape_cast %swap3A_179 : vector<1x16xf32> to vector<16xf32>
        %swap3A_181 = vector.shape_cast %mul3A_176 : vector<16xf32> to vector<1x16xf32>
        tpu.vector_store %arg6[%swap3A_177, %swap3A_178], %swap3A_181 {strides = array<i32>} : memref<128x128xf32, #tpu.memory_space<vmem>>, vector<1x16xf32>,
        %mul3A_182 = arith.mulf %get3A_59, %select_n3A : vector<16xf32>
        %swap3A_183 = arith.index_cast %scan3A_28 : i32 to index
        %swap3A_184 = arith.constant 112 : index
        %swap3A_185 = tpu.vector_load %arg6[%swap3A_183, %swap3A_184] {strides = array<i32>} : memref<128x128xf32, #tpu.memory_space<vmem>>, vector<1x16xf32>,
        %swap3A_186 = vector.shape_cast %swap3A_185 : vector<1x16xf32> to vector<16xf32>
        %swap3A_187 = vector.shape_cast %mul3A_182 : vector<16xf32> to vector<1x16xf32>
        tpu.vector_store %arg6[%swap3A_183, %swap3A_184], %swap3A_187 {strides = array<i32>} : memref<128x128xf32, #tpu.memory_space<vmem>>, vector<1x16xf32>,
      }
      %scan3A_24 = arith.constant 128 : i32
      %mul3A_25 = arith.constant 128 : i32
      %mul3A_26 = arith.muli %scan3A_8, %mul3A_25 : i32
      %add3A_27 = arith.addi %mul3A_2, %mul3A_26 : i32
      "tpu.region"() ({
        %run_scoped3A = tpu.sem_alloc : memref<!tpu.dma_semaphore, #tpu.memory_space<semaphore_mem>>
        %dma_start3A_28 = arith.constant 0 : i32
        %dma_start3A_29 = tpu.memref_slice %arg4[%add3A_27, %dma_start3A_28] : memref<204800x128xf32, #tpu.memory_space<hbm>> -> memref<128x128xf32, #tpu.memory_space<hbm>>
        %dma_start3A_30 = arith.constant 0 : i32
        %dma_start3A_31 = tpu.memref_slice %arg4[%add3A_27, %dma_start3A_30] : memref<204800x128xf32, #tpu.memory_space<hbm>> -> memref<128x128xf32, #tpu.memory_space<hbm>>
        tpu.enqueue_dma source(%arg6 : memref<128x128xf32, #tpu.memory_space<vmem>>) target(%dma_start3A_31 : memref<128x128xf32, #tpu.memory_space<hbm>>) target_semaphore(%run_scoped3A : memref<!tpu.dma_semaphore, #tpu.memory_space<semaphore_mem>>)
        %dma_wait3A_32 = arith.constant 0 : i32
        %dma_wait3A_33 = tpu.memref_slice %arg4[%add3A_27, %dma_wait3A_32] : memref<204800x128xf32, #tpu.memory_space<hbm>> -> memref<128x128xf32, #tpu.memory_space<hbm>>
        %dma_wait3A_34 = arith.constant 0 : i32
        %dma_wait3A_35 = tpu.memref_slice %arg4[%add3A_27, %dma_wait3A_34] : memref<204800x128xf32, #tpu.memory_space<hbm>> -> memref<128x128xf32, #tpu.memory_space<hbm>>
        tpu.wait_dma2 semaphore(%run_scoped3A : memref<!tpu.dma_semaphore, #tpu.memory_space<semaphore_mem>>) src(%arg6 : memref<128x128xf32, #tpu.memory_space<vmem>>) dst(%dma_wait3A_35 : memref<128x128xf32, #tpu.memory_space<hbm>>)
        tpu.yield
      }) : () -> ()
    }
    %scan3A_7 = arith.constant 50 : i32
    return
  }
}

</mosaic_0001>

<sc_bundles>
// kernel: _run.3.cloned.1.call-start
scs
__scs_entry_jumppad:
0x0: {  	(pc) =	sbr.rel $0x88, $3  }
0x1: {  	(tag) =	ssettag $0x0;
	lr =	simm.s32 $0x1  }
0x2: {  	[smem:$0x3F9F] =	sst lr;
	_ =	strace $0xD0000000  }
0x3: {  	_ = 	snop  }
0x4: {  	_ = 	snop  }
0x5: {  	_ = 	snop  }
0x6: {  	_ = 	snop  }
0x7: {  	_ = 	snop  }
__scs_overlays_trampoline_lowered:
0x8: {  	[smem:$0x3FAE] =	sst s0  }
0x9: {  	[smem:$0x3FAF] =	sst s1  }
0xa: {  	[smem:$0x3FB0] =	sst s2  }
0xb: {  	[smem:$0x3FB1] =	sst s3  }
0xc: {  	[smem:$0x3FB2] =	sst s4  }
0xd: {  	[smem:$0x3FB3] =	sst s5  }
0xe: {  	[smem:$0x3FB4] =	sst s6  }
0xf: {  	[smem:$0x3FB5] =	sst s7  }
0x10: {  	[smem:$0x3FB6] =	sst s8  }
0x11: {  	[smem:$0x3FB7] =	sst s9;
	s0 =	simm.s32 @!p0 $0x0  }
0x12: {  	s1 =	sld [smem:$0x3F9D];
	s0 =	simm.s32 @p0 $0x1  }
0x13: {  	[smem:$0x3FB8] =	sst s0;
	s0 =	simm.s32 @!p1 $0x0  }
0x14: {  	s2 =	sld [smem:$0x3F9C];
	s0 =	simm.s32 @p1 $0x1  }
0x15: {  	[smem:$0x3FB9] =	sst s0;
	s0 =	simm.s32 @!p2 $0x0  }
0x16: {  	s3 =	sld [smem:$0x3FDB];
	s0 =	simm.s32 @p2 $0x1  }
0x17: {  	s4 =	simm.s32 $0x1BF5;
	[smem:$0x3FBB] =	sst s0  }
0x18: {  	s0 =	sld [smem:$0x3F9E];
	_ =	swait.ge [sflag:s4], $0x0  }
0x19: {  	s7 =	sld [smem:$0x3F9F]  }
0x1a: {  	s8 =	sadd.s32 $0xFFFFE003, lr  }
0x1b: {  	s9 =	sadd.s32 $0xFFFFFEF7, lr;
	s5 =	simm.s32 $0xFFFFFFFF;
	p2 =	slt.u32 s8, $0xFFFFF086  }
0x1c: {  	p1 =	slt.u32 s9, $0xF7A;
	s5 =	simm.s32 @!p2 $0x0  }
0x1d: {  	s5 =	simm.s32 @p1 $0x1;
	p0 =	seq.s32 s7, s2  }
0x1e: {  	s7 =	smul.u32 @!p0 $0xF7A, s2;
	p2 =	seq.s32 @!p0 s5, $0x0  }
0x1f: {  	s9 =	smul.u32 $0xF7A, s1;
	s8 =	simm.s32 @!p0 $0x1BF5;
	p2 =	por !p2, p0  }
0x20: {  	[sflag:s8] =	ssyncset.s32 @!p0 $0xFFFFF086;
	s6 =	sadd.s32 @!p0 s3, s7;
	s7 =	simm.s32 @!p0 $0x108  }
0x21: {  	s3 =	sadd.s32 s3, s9;
	s6 =	sadd.s32 @!p0 $0x88, s6;
	s7 =	simm.s32 @p2 $0x1082  }
0x22: {  	[simem:s7], [sflag:s8] =	dma.local @!p0 [hbm:s6], $0xF7A  }
0x23: {  	s9 =	sor.u32 $0xD0000000, s2;
	s6 =	simm.s32 $0x108;
	_ =	swait.ge @!p0 [sflag:s8], $0x0  }
0x24: {  	s3 =	sadd.s32 $0x88, s3;
	s6 =	simm.s32 @!p1 $0x1082;
	[sflag:s4] =	ssyncset.s32 $0xFFFFF086  }
0x25: {  	[simem:s6], [sflag:s4] =	dma.local [hbm:s3], $0xF7A  }
0x26: {  	[smem:$0x3F9F] =	sst s1;
	(tag) =	ssettag s2;
	_ =	strace s9  }
0x27: {  	s1 =	sld [smem:$0x3FAF]  }
0x28: {  	s2 =	sld [smem:$0x3FB0]  }
0x29: {  	s4 =	sld [smem:$0x3FB2]  }
0x2a: {  	p0 =	seq.s32 s5, $0x0;
	s5 =	sld [smem:$0x3FB3]  }
0x2b: {  	s6 =	sld [smem:$0x3FB4]  }
0x2c: {  	s7 =	sld [smem:$0x3FB5]  }
0x2d: {  	s3 =	simm.s32 $0x108;
	s8 =	sld [smem:$0x3FB6]  }
0x2e: {  	s3 =	simm.s32 @!p0 $0x1082;
	s9 =	sld [smem:$0x3FB7]  }
0x2f: {  	lr =	sadd.s32 s0, s3;
	s0 =	sld [smem:$0x3FAE]  }
0x30: {  	s3 =	sld [smem:$0x3FB1]  }
0x31: {  	[smem:$0x3FBA] =	sst s10  }
0x32: {  	s10 =	sld [smem:$0x3FB8];
	_ =	sdelay $0x3  }
0x33: {  	p0 =	seq.s32 s10, $0x1;
	s10 =	sld [smem:$0x3FBA];
	_ =	sdelay $0x3  }
0x34: {  	[smem:$0x3FBA] =	sst s10  }
0x35: {  	s10 =	sld [smem:$0x3FB9];
	_ =	sdelay $0x3  }
0x36: {  	p1 =	seq.s32 s10, $0x1;
	s10 =	sld [smem:$0x3FBA];
	_ =	sdelay $0x3  }
0x37: {  	[smem:$0x3FBA] =	sst s10  }
0x38: {  	s10 =	sld [smem:$0x3FBB]  }
0x39: {  	_ = 	snop;
	(pc) =	sbr.ind lr, $3  }
0x3a: {  	_ = 	snop  }
0x3b: {  	_ = 	snop  }
0x3c: {  	p2 =	seq.s32 s10, $0x1;
	s10 =	sld [smem:$0x3FBA]  }
0x3d: {  	_ =	shalt  }
0x3e: {  	_ =	shalt  }
0x3f: {  	_ =	shalt  }
0x40: {  	_ =	shalt  }
0x41: {  	_ =	shalt  }
0x42: {  	_ =	shalt  }
0x43: {  	_ =	shalt  }
0x44: {  	_ =	shalt  }
0x45: {  	_ =	shalt  }
0x46: {  	_ =	shalt  }
0x47: {  	_ =	shalt  }
0x48: {  	_ =	shalt  }
0x49: {  	_ =	shalt  }
0x4a: {  	_ =	shalt  }
0x4b: {  	_ =	shalt  }
0x4c: {  	_ =	shalt  }
0x4d: {  	_ =	shalt  }
0x4e: {  	_ =	shalt  }
0x4f: {  	_ =	shalt  }
0x50: {  	_ =	shalt  }
0x51: {  	_ =	shalt  }
0x52: {  	_ =	shalt  }
0x53: {  	_ =	shalt  }
0x54: {  	_ =	shalt  }
0x55: {  	_ =	shalt  }
0x56: {  	_ =	shalt  }
0x57: {  	_ =	shalt  }
0x58: {  	_ =	shalt  }
0x59: {  	_ =	shalt  }
0x5a: {  	_ =	shalt  }
0x5b: {  	_ =	shalt  }
0x5c: {  	_ =	shalt  }
0x5d: {  	_ =	shalt  }
0x5e: {  	_ =	shalt  }
0x5f: {  	_ =	shalt  }
0x60: {  	_ =	shalt  }
0x61: {  	_ =	shalt  }
0x62: {  	_ =	shalt  }
0x63: {  	_ =	shalt  }
0x64: {  	_ =	shalt  }
0x65: {  	_ =	shalt  }
0x66: {  	_ =	shalt  }
0x67: {  	_ =	shalt  }
0x68: {  	_ =	shalt  }
0x69: {  	_ =	shalt  }
0x6a: {  	_ =	shalt  }
0x6b: {  	_ =	shalt  }
0x6c: {  	_ =	shalt  }
0x6d: {  	_ =	shalt  }
0x6e: {  	_ =	shalt  }
0x6f: {  	_ =	shalt  }
0x70: {  	_ =	shalt  }
0x71: {  	_ =	shalt  }
0x72: {  	_ =	shalt  }
0x73: {  	_ =	shalt  }
0x74: {  	_ =	shalt  }
0x75: {  	_ =	shalt  }
0x76: {  	_ =	shalt  }
0x77: {  	_ =	shalt  }
0x78: {  	_ =	shalt  }
0x79: {  	_ =	shalt  }
0x7a: {  	_ =	shalt  }
0x7b: {  	_ =	shalt  }
0x7c: {  	_ =	shalt  }
0x7d: {  	_ =	shalt  }
0x7e: {  	_ =	shalt  }
0x7f: {  	_ =	shalt  }
0x80: {  	_ =	shalt  }
0x81: {  	_ =	shalt  }
0x82: {  	_ =	shalt  }
0x83: {  	_ =	shalt  }
0x84: {  	_ =	shalt  }
0x85: {  	_ =	shalt  }
0x86: {  	_ =	shalt  }
0x87: {  	_ =	shalt  }
.Lfunc_end0:
.L_simem_size_0:
called_computation_lowered:
.L_overlay_start_0:
0x88: {  	s2 =	sld [smem:$0x3FD9]  }
0x89: {  	s3 =	sld [smem:$0x3FFE];
	_ =	sdelay $0x1  }
0x8a: {  	s1 =	srdreg.scid  }
0x8b: {  	s0 =	sand.u32 $0x1, s1  }
0x8c: {  	s17 =	sshll.u32 s0, $0xA;
	s2 =	sadd.s32 s3, s2  }
0x8d: {  	s2 =	sadd.s32 s2, s17  }
0x8e: {  	[smem:$0x3FC6] =	sst s2  }
0x8f: {  	_ = 	snop  }
0x90: {  	s2 =	sld [smem:$0x3FC8]  }
0x91: {  	s18 =	sld [smem:$0x3FD0];
	(tm) =	ssettm $0x1  }
0x92: {  	s4 =	sld [smem:$0x3FFB];
	_ =	sdelay $0x3  }
0x93: {  	_ =	strace s4  }
0x94: {  	s4 =	sld [smem:$0x3FFC];
	_ =	sdelay $0x3  }
0x95: {  	_ =	strace s4  }
0x96: {  	s4 =	sld [smem:$0x3FFD];
	_ =	sdelay $0x3  }
0x97: {  	_ =	strace s4  }
0x98: {  	_ =	strace $0x8FFFFFFF  }
0x99: {  	s19 =	sld [smem:$0x3FDB];
	_ =	sdelay $0x1  }
0x9a: {  	s5 =	simm.s32 $_scs_section_size  }
0x9b: {  	s6 =	simm.s32 $_size__tile_overlayer_lowered;
	s7 =	simm.s32 $_tile_overlayer_lowered  }
0x9c: {  	s22 =	simm.s32 $0x1BFF;
	s21 =	sshll.u32 s7, $0x1;
	s4 =	sadd.s32 s5, s19  }
0x9d: {  	s8 =	simm.s32 $0x0;
	s20 =	sshll.u32 s6, $0x1;
	s6 =	sadd.s32 s21, s4  }
0x9e: {  	[timem:s8], [sflag:s22] =	dma.local [hbm:s6], s20  }
0x9f: {  	_ =	swait.ge [sflag:s22], s20  }
0xa0: {  	s5 =	ssub.s32 $0x0, s20;
	[sflag:s22] =	ssyncset.done $0x0  }
0xa1: {  	[sflag:s22] =	ssyncadd.s32 s5;
	_ =	sdelay $0x1  }
0xa2: {  	s23 =	simm.s32 $0x1B8B  }
0xa3: {  	_ =	swait.ge [sflag:s23], $0x1  }
0xa4: {  	[sflag:s23] =	ssyncset.done $0x0  }
0xa5: {  	s25 =	simm.s32 $0x1B8E;
	s24 =	sld [smem:$0x3FFE];
	[sflag:s23] =	ssyncadd.s32 $0xFFFFFFFF  }
0xa6: {  	s26 =	simm.s32 $execute0_lowered;
	[smem:$0x3FD2] =	sst s25  }
0xa7: {  	s6 =	sshll.u32 s26, $0x1;
	_ =	strace $0x80000046;
	[dreg:$0x1] =	wrdreg $0xFFFFFFFF  }
0xa8: {  	s28 =	simm.s32 $_size_execute0_lowered;
	s4 =	sadd.s32 s4, s6;
	[dreg:$0x0] =	wrdreg $0x0  }
0xa9: {  	s6 =	sshll.u32 s28, $0x1;
	[dreg:$0x2] =	wrdreg s4  }
0xaa: {  	[dreg:$0x3] =	wrdreg s6  }
0xab: {  	[dreg:$0x4] =	wrdreg $0xC0  }
0xac: {  	_ =	task [dreg:s8], $0x5FFFF  }
0xad: {  	[dreg:$0x1] =	wrdreg $0xFFFFFFFF  }
0xae: {  	[dreg:$0x0] =	wrdreg $0x60  }
0xaf: {  	[dreg:$0x2] =	wrdreg s24  }
0xb0: {  	[dreg:$0x3] =	wrdreg s2  }
0xb1: {  	[dreg:$0x4] =	wrdreg s18  }
0xb2: {  	[dreg:$0x5] =	wrdreg $0x9  }
0xb3: {  	_ =	task.clear_ibuf [dreg:s8], $0x6FFFF;
	_ =	strace $0x90000046  }
0xb4: {  	s29 =	simm.s32 $0x9;
	_ =	strace $0x80000048  }
0xb5: {  	_ =	swait.ge [sflag:s29], $0x1  }
0xb6: {  	[sflag:s29] =	ssyncadd.s32 $0xFFFFFFFF  }
0xb7: {  	_ =	strace $0x90000048  }
0xb8: {  	_ =	sfence  }
0xb9: {  	s30 =	sld [smem:$0x0];
	_ =	sdelay $0x2  }
0xba: {  	s31 =	sshll.u32 s1, $0xD;
	s1 =	sshrl.u32 s1, $0x2  }
0xbb: {  	s3 =	sand.u32 $0x4000, s31;
	s1 =	sadd.s32 s1, s30  }
0xbc: {  	s0 =	sor.u32 s3, s0;
	s1 =	sshll.u32 s1, $0x11  }
0xbd: {  	s0 =	sor.u32 s1, s0  }
0xbe: {  	s0 =	sadd.s32 $0x8F2B, s0  }
0xbf: {  	[sflag:s0] =	ssyncadd.remote.s32 $0x1  }
0xc0: {  	_ =	sfence.sel $0xFFFF  }
0xc1: {  	[dreg:$0x0] =	wrdreg $0xFFFFFFFF;
	(pc) =	sbr.abs _section_cstart, $3  }
0xc2: {  	[dreg:$0x1] =	wrdreg $0xFFFFFFFF  }
0xc3: {  	_ =	task.clear_ibuf [dreg:s8], $0x2FFFF;
	_ =	strace $0x9FFFFFFF  }
0xc4: {  	(tm) =	ssettm $0x7FFFFFFF  }
0xc5: {  	_ =	shalt  }
tec
execute0_lowered:
.L_overlay_start_1:
0x0: {  	(tag) =	ssettag $0x1  }
0x1: {  	v0 =	vimm.s32 $0xFEDCBA98  }
0x2: {  	v1 =	vimm.s32 $0x76543210;
	v2 =	vimm.s32 $0xBA98FEDC;
	v3 =	vimm.s32 $0x32107654  }
0x3: {  	s1 =	srdreg.scid;
	s5 =	rddreg [dreg:$0x0];
	v4 =	vimm.s32 $0xDCFE98BA;
	v5 =	vimm.s32 $0x54761032;
	v6 =	vimm.s32 $0xEFCDAB89  }
0x4: {  	s0 =	stileid.u32;
	s3 =	rddreg [dreg:$0x2];
	v7 =	vimm.s32 $0x67452301;
	v0 =	vunpack.c.l.s4.s8 v0;
	v1 =	vunpack.c.l.s4.s8 v1  }
0x5: {  	s4 =	simm.s32 $0x0;
	s10 =	simm.s32 $0x1C00;
	s11 =	simm.s32 $0x1;
	v2 =	vunpack.c.l.s4.s8 v2;
	v3 =	vunpack.c.l.s4.s8 v3;
	v4 =	vunpack.c.l.s4.s8 v4  }
0x6: {  	s12 =	simm.s32 $0x0;
	s6 =	sand.u32 $0x1, s1;
	s2 =	sshll.u32 s0, $0x1;
	v5 =	vunpack.c.l.s4.s8 v5;
	v6 =	vunpack.c.l.s4.s8 v6;
	v7 =	vunpack.c.l.s4.s8 v7  }
0x7: {  	s1 =	rddreg [dreg:$0x1];
	s7 =	sor.u32 s6, s2;
	s6 =	ssub.s32 $0x2, s6;
	v0 =	vunpack.c.0.s8.s32 v0;
	v1 =	vunpack.c.0.s8.s32 v1;
	v2 =	vunpack.c.0.s8.s32 v2  }
0x8: {  	[smem:$0x7FF] =	sst s4;
	s8 =	smul.u32 $0x380, s7;
	s31 =	sshrl.u32 s6, $0x1;
	v3 =	vunpack.c.0.s8.s32 v3;
	v4 =	vunpack.c.0.s8.s32 v4;
	v5 =	vunpack.c.0.s8.s32 v5  }
0x9: {  	s2 =	rddreg [dreg:$0x3];
	_ =	strace $0x80000047;
	v6 =	vunpack.c.0.s8.s32 v6;
	v7 =	vunpack.c.0.s8.s32 v7;
	s9 =	ssub.s32 s6, s31;
	v0 =	vand.u32 $0xF, v0  }
0xa: {  	s8 =	sadd.s32 s8, s5;
	s5 =	smul.u32 $0x1900, s7;
	s7 =	smax.u32 s9, $0x1;
	v0 =	vcombine.low v0, v1;
	v1 =	vcombine.low v3, v2  }
0xb: {  	s9 =	simm.s32 $0x80;
	s6 =	sadd.s32 $0x400, s8;
	s8 =	simm.s32 $0x2;
	v2 =	vcombine.low v5, v4;
	v3 =	vcombine.low v7, v6  }
.LBB2_1:
0xc: {  	[tilespmem:s4], [sflag:$0x2] =	stream.linear.gather [hbm4b:s6+s4], $0x1900, $0x38;
	[tilespmem:$0x5C00] =	vst v63  }
0xd: {  	_ =	swait.ge [sflag:s8], $0x1900  }
0xe: {  	[sflag:s8] =	ssyncset.done $0x0  }
0xf: {  	s13 =	simm.s32 $0x0;
	[sflag:s8] =	ssyncadd.s32 $0xFFFFE700  }
.LBB2_2:
0x10: {  	s14 =	sshll.u32 s13, $0x7  }
0x11: {  	[tilespmem:s10], [sflag:$0x1] =	stream.indirect.gather [hbm4b:s1+s9], $0x80, s14, s9, $0xb8;
	[tilespmem:$0x5C00] =	vst v63  }
0x12: {  	_ =	swait.ge [sflag:s11], $0x4000  }
0x13: {  	[sflag:s11] =	ssyncset.done $0x0  }
0x14: {  	s15 =	simm.s32 $0x0;
	[sflag:s11] =	ssyncadd.s32 $0xFFFFC000  }
0x15: {  	v4 =	vld [tilespmem:s15+$0x1C10]  }
0x16: {  	v5 =	vld [tilespmem:s15+$0x1C00];
	_ =	sdelay $0x1  }
0x17: {  	v6 =	vld [tilespmem:s15+$0x1C20];
	_ =	sdelay $0x1  }
0x18: {  	v7 =	vld [tilespmem:s15+$0x1C30]  }
0x19: {  	v8 =	vmul.f32 v5, v5;
	v9 =	vmul.f32 v4, v4  }
0x1a: {  	v10 =	vld [tilespmem:s15+$0x1C40]  }
0x1b: {  	v8 =	vadd.f32 v9, v8;
	v9 =	vmul.f32 v6, v6  }
0x1c: {  	v11 =	vld [tilespmem:s15+$0x1C50]  }
0x1d: {  	v8 =	vadd.f32 v9, v8;
	v9 =	vmul.f32 v7, v7  }
0x1e: {  	v12 =	vld [tilespmem:s15+$0x1C60]  }
0x1f: {  	v8 =	vadd.f32 v9, v8;
	v9 =	vmul.f32 v10, v10  }
0x20: {  	v13 =	vld [tilespmem:s15+$0x1C70]  }
0x21: {  	v8 =	vadd.f32 v9, v8;
	v9 =	vmul.f32 v11, v11;
	_ =	sdelay $0x1  }
0x22: {  	v8 =	vadd.f32 v9, v8;
	v9 =	vmul.f32 v12, v12;
	_ =	sdelay $0x1  }
0x23: {  	v8 =	vadd.f32 v9, v8;
	v9 =	vmul.f32 v13, v13;
	_ =	sdelay $0x1  }
0x24: {  	v8 =	vadd.f32 v9, v8;
	_ =	sdelay $0x1  }
0x25: {  	v9 =	vperm.xlane v8, v0;
	_ =	sdelay $0x1  }
0x26: {  	v8 =	vadd.f32 v8, v9;
	_ =	sdelay $0x1  }
0x27: {  	v9 =	vperm.xlane v8, v1;
	_ =	sdelay $0x1  }
0x28: {  	v8 =	vadd.f32 v8, v9;
	_ =	sdelay $0x1  }
0x29: {  	v9 =	vperm.xlane v8, v2;
	_ =	sdelay $0x1  }
0x2a: {  	v8 =	vadd.f32 v8, v9;
	_ =	sdelay $0x1  }
0x2b: {  	v9 =	vperm.xlane v8, v3;
	_ =	sdelay $0x1  }
0x2c: {  	v8 =	vadd.f32 v8, v9;
	_ =	sdelay $0x1  }
0x2d: {  	v9 =	vshra.s32 v8, $0x1;
	v14 =	vmul.f32 $5.000000000e-01, v8  }
0x2e: {  	v9 =	vsub.s32 $0x5F3759DF, v9  }
0x2f: {  	v15 =	vmul.f32 v9, v14;
	_ =	sdelay $0x1  }
0x30: {  	v15 =	vmul.f32 v9, v15;
	_ =	sdelay $0x1  }
0x31: {  	v15 =	vsub.f32 $1.500000000e+00, v15;
	_ =	sdelay $0x1  }
0x32: {  	v9 =	vmul.f32 v9, v15;
	_ =	sdelay $0x1  }
0x33: {  	v15 =	vmul.f32 v9, v14;
	_ =	sdelay $0x1  }
0x34: {  	v15 =	vmul.f32 v15, v9;
	_ =	sdelay $0x1  }
0x35: {  	v15 =	vsub.f32 $1.500000000e+00, v15;
	_ =	sdelay $0x1  }
0x36: {  	v9 =	vmul.f32 v15, v9;
	_ =	sdelay $0x1  }
0x37: {  	v14 =	vmul.f32 v9, v14;
	_ =	sdelay $0x1  }
0x38: {  	v14 =	vmul.f32 v14, v9;
	_ =	sdelay $0x1  }
0x39: {  	v14 =	vsub.f32 $1.500000000e+00, v14;
	_ =	sdelay $0x1  }
0x3a: {  	v9 =	vmul.f32 v14, v9;
	_ =	sdelay $0x1  }
0x3b: {  	v9 =	vmul.f32 v9, v8;
	_ =	sdelay $0x1  }
0x3c: {  	v9 =	vadd.f32 $1.000000010e-07, v9;
	_ =	sdelay $0x1  }
0x3d: {  	(erf) = vrcp.f32 v9;
	_ =	sdelay $0x8  }
0x3e: {  	vm0 =	vgt.f32 v8, $1.000000000e+00;
	v8 =	vpop (erf)  }
0x3f: {  	v8 =	vnsel vm0, $0x3F800000, v8  }
0x40: {  	v5 =	vmul.f32 v8, v5  }
0x41: {  	v4 =	vmul.f32 v8, v4  }
0x42: {  	v9 =	vmul.f32 v8, v10;
	[tilespmem:s15+$0x1C00] =	vst v5;
	v5 =	vmul.f32 v8, v6  }
0x43: {  	s17 =	simm.s32 $0x80;
	v10 =	vmul.f32 v8, v12;
	v6 =	vmul.f32 v8, v7;
	[tilespmem:s15+$0x1C10] =	vst v4  }
0x44: {  	s16 =	simm.s32 $0x400;
	v7 =	vmul.f32 v8, v11;
	v8 =	vmul.f32 v8, v13;
	v4 =	vld [tilespmem:s17+$0x1C10];
	[tilespmem:s15+$0x1C20] =	vst v5  }
.LBB2_3:
0x45: {  	p0 =	sne.s32 s16, $0xFE00;
	v5 =	vld [tilespmem:s17+$0x1C00];
	[tilespmem:s15+$0x1C30] =	vst v6  }
0x46: {  	[tilespmem:s15+$0x1C40] =	vst v9  }
0x47: {  	v6 =	vld [tilespmem:s17+$0x1C20];
	[tilespmem:s15+$0x1C50] =	vst v7  }
0x48: {  	[tilespmem:s15+$0x1C60] =	vst v10  }
0x49: {  	v7 =	vld [tilespmem:s17+$0x1C30];
	[tilespmem:s15+$0x1C70] =	vst v8;
	s15 =	smov.u32 s17  }
0x4a: {  	v9 =	vmul.f32 v4, v4;
	v8 =	vmul.f32 v5, v5  }
0x4b: {  	v10 =	vld [tilespmem:s15+$0x1C40]  }
0x4c: {  	v8 =	vadd.f32 v9, v8;
	v9 =	vmul.f32 v6, v6  }
0x4d: {  	v11 =	vld [tilespmem:s15+$0x1C50]  }
0x4e: {  	v8 =	vadd.f32 v9, v8;
	v9 =	vmul.f32 v7, v7  }
0x4f: {  	v12 =	vld [tilespmem:s15+$0x1C60]  }
0x50: {  	v8 =	vadd.f32 v9, v8;
	v9 =	vmul.f32 v10, v10  }
0x51: {  	v13 =	vld [tilespmem:s15+$0x1C70]  }
0x52: {  	v8 =	vadd.f32 v9, v8;
	v9 =	vmul.f32 v11, v11;
	_ =	sdelay $0x1  }
0x53: {  	v8 =	vadd.f32 v9, v8;
	v9 =	vmul.f32 v12, v12;
	_ =	sdelay $0x1  }
0x54: {  	v8 =	vadd.f32 v9, v8;
	v9 =	vmul.f32 v13, v13;
	_ =	sdelay $0x1  }
0x55: {  	v8 =	vadd.f32 v9, v8;
	_ =	sdelay $0x1  }
0x56: {  	v9 =	vperm.xlane v8, v0;
	_ =	sdelay $0x1  }
0x57: {  	v8 =	vadd.f32 v8, v9;
	_ =	sdelay $0x1  }
0x58: {  	v9 =	vperm.xlane v8, v1;
	_ =	sdelay $0x1  }
0x59: {  	v8 =	vadd.f32 v8, v9;
	_ =	sdelay $0x1  }
0x5a: {  	v9 =	vperm.xlane v8, v2;
	_ =	sdelay $0x1  }
0x5b: {  	v8 =	vadd.f32 v8, v9;
	_ =	sdelay $0x1  }
0x5c: {  	v9 =	vperm.xlane v8, v3;
	_ =	sdelay $0x1  }
0x5d: {  	v8 =	vadd.f32 v8, v9;
	_ =	sdelay $0x1  }
0x5e: {  	v9 =	vshra.s32 v8, $0x1;
	v14 =	vmul.f32 $5.000000000e-01, v8  }
0x5f: {  	v9 =	vsub.s32 $0x5F3759DF, v9  }
0x60: {  	v15 =	vmul.f32 v9, v14;
	_ =	sdelay $0x1  }
0x61: {  	v15 =	vmul.f32 v9, v15;
	_ =	sdelay $0x1  }
0x62: {  	v15 =	vsub.f32 $1.500000000e+00, v15;
	_ =	sdelay $0x1  }
0x63: {  	v9 =	vmul.f32 v9, v15;
	_ =	sdelay $0x1  }
0x64: {  	v15 =	vmul.f32 v9, v14;
	_ =	sdelay $0x1  }
0x65: {  	v15 =	vmul.f32 v15, v9;
	_ =	sdelay $0x1  }
0x66: {  	v15 =	vsub.f32 $1.500000000e+00, v15;
	_ =	sdelay $0x1  }
0x67: {  	v9 =	vmul.f32 v15, v9;
	_ =	sdelay $0x1  }
0x68: {  	v14 =	vmul.f32 v9, v14;
	_ =	sdelay $0x1  }
0x69: {  	v14 =	vmul.f32 v14, v9;
	_ =	sdelay $0x1  }
0x6a: {  	v14 =	vsub.f32 $1.500000000e+00, v14;
	_ =	sdelay $0x1  }
0x6b: {  	v9 =	vmul.f32 v14, v9;
	_ =	sdelay $0x1  }
0x6c: {  	v9 =	vmul.f32 v9, v8;
	_ =	sdelay $0x1  }
0x6d: {  	v9 =	vadd.f32 $1.000000010e-07, v9;
	_ =	sdelay $0x1  }
0x6e: {  	(erf) = vrcp.f32 v9;
	_ =	sdelay $0x8  }
0x6f: {  	vm0 =	vgt.f32 v8, $1.000000000e+00;
	v8 =	vpop (erf)  }
0x70: {  	v8 =	vnsel vm0, $0x3F800000, v8  }
.Ltmp0:
0x71: {  	v5 =	vmul.f32 v8, v5;
	v4 =	vmul.f32 v8, v4;
	(pc) =	sbr.rel @p0 .LBB2_3-.Ltmp0, $4  }
0x72: {  	v14 =	vmul.f32 v8, v6;
	v6 =	vmul.f32 v8, v7  }
0x73: {  	v9 =	vmul.f32 v8, v10;
	v7 =	vmul.f32 v8, v11;
	[tilespmem:s15+$0x1C00] =	vst v5  }
0x74: {  	s17 =	sshra.s32 s16, $0x2;
	v10 =	vmul.f32 v8, v12;
	v8 =	vmul.f32 v8, v13;
	[tilespmem:s15+$0x1C10] =	vst v4  }
0x75: {  	s16 =	sadd.s32 $0x200, s16;
	v4 =	vld [tilespmem:s17+$0x1C10];
	[tilespmem:s15+$0x1C20] =	vst v14  }
0x76: {  	v5 =	vld [tilespmem:s17+$0x1C00];
	[tilespmem:s15+$0x1C30] =	vst v6  }
0x77: {  	[tilespmem:s15+$0x1C40] =	vst v9  }
0x78: {  	v6 =	vld [tilespmem:s17+$0x1C20];
	[tilespmem:s15+$0x1C50] =	vst v7  }
0x79: {  	[tilespmem:s15+$0x1C60] =	vst v10  }
0x7a: {  	v7 =	vld [tilespmem:s17+$0x1C30]  }
0x7b: {  	[tilespmem:s15+$0x1C70] =	vst v8;
	v55 =	vmul.f32 v4, v4;
	v54 =	vmul.f32 v5, v5  }
0x7c: {  	v10 =	vld [tilespmem:s17+$0x1C40]  }
0x7d: {  	v56 =	vmul.f32 v6, v6;
	v8 =	vadd.f32 v55, v54  }
0x7e: {  	v11 =	vld [tilespmem:s17+$0x1C50]  }
0x7f: {  	v57 =	vmul.f32 v7, v7;
	v8 =	vadd.f32 v56, v8  }
0x80: {  	v12 =	vld [tilespmem:s17+$0x1C60]  }
0x81: {  	v58 =	vmul.f32 v10, v10;
	v8 =	vadd.f32 v57, v8  }
0x82: {  	v13 =	vld [tilespmem:s17+$0x1C70]  }
0x83: {  	v59 =	vmul.f32 v11, v11;
	v8 =	vadd.f32 v58, v8;
	_ =	sdelay $0x1  }
0x84: {  	v60 =	vmul.f32 v12, v12;
	v8 =	vadd.f32 v59, v8;
	_ =	sdelay $0x1  }
0x85: {  	v61 =	vmul.f32 v13, v13;
	v8 =	vadd.f32 v60, v8;
	_ =	sdelay $0x1  }
0x86: {  	v8 =	vadd.f32 v61, v8;
	_ =	sdelay $0x1  }
0x87: {  	v9 =	vperm.xlane v8, v0;
	_ =	sdelay $0x1  }
0x88: {  	v8 =	vadd.f32 v8, v9;
	_ =	sdelay $0x1  }
0x89: {  	v9 =	vperm.xlane v8, v1;
	_ =	sdelay $0x1  }
0x8a: {  	v8 =	vadd.f32 v8, v9;
	_ =	sdelay $0x1  }
0x8b: {  	v9 =	vperm.xlane v8, v2;
	_ =	sdelay $0x1  }
0x8c: {  	v8 =	vadd.f32 v8, v9;
	_ =	sdelay $0x1  }
0x8d: {  	v9 =	vperm.xlane v8, v3;
	_ =	sdelay $0x1  }
0x8e: {  	v8 =	vadd.f32 v8, v9;
	_ =	sdelay $0x1  }
0x8f: {  	v9 =	vshra.s32 v8, $0x1;
	v14 =	vmul.f32 $5.000000000e-01, v8  }
0x90: {  	v9 =	vsub.s32 $0x5F3759DF, v9  }
0x91: {  	v15 =	vmul.f32 v9, v14;
	_ =	sdelay $0x1  }
0x92: {  	v15 =	vmul.f32 v9, v15;
	_ =	sdelay $0x1  }
0x93: {  	v15 =	vsub.f32 $1.500000000e+00, v15;
	_ =	sdelay $0x1  }
0x94: {  	v9 =	vmul.f32 v9, v15;
	_ =	sdelay $0x1  }
0x95: {  	v15 =	vmul.f32 v9, v14;
	_ =	sdelay $0x1  }
0x96: {  	v15 =	vmul.f32 v15, v9;
	_ =	sdelay $0x1  }
0x97: {  	v15 =	vsub.f32 $1.500000000e+00, v15;
	_ =	sdelay $0x1  }
0x98: {  	v9 =	vmul.f32 v15, v9;
	_ =	sdelay $0x1  }
0x99: {  	v14 =	vmul.f32 v9, v14;
	_ =	sdelay $0x1  }
0x9a: {  	v14 =	vmul.f32 v14, v9;
	_ =	sdelay $0x1  }
0x9b: {  	v14 =	vsub.f32 $1.500000000e+00, v14;
	_ =	sdelay $0x1  }
0x9c: {  	v9 =	vmul.f32 v14, v9;
	_ =	sdelay $0x1  }
0x9d: {  	v9 =	vmul.f32 v9, v8;
	_ =	sdelay $0x1  }
0x9e: {  	v9 =	vadd.f32 $1.000000010e-07, v9;
	_ =	sdelay $0x1  }
0x9f: {  	(erf) = vrcp.f32 v9;
	_ =	sdelay $0x8  }
0xa0: {  	vm0 =	vgt.f32 v8, $1.000000000e+00;
	v62 =	vpop (erf)  }
0xa1: {  	v8 =	vnsel vm0, $0x3F800000, v62  }
0xa2: {  	v5 =	vmul.f32 v8, v5  }
0xa3: {  	v4 =	vmul.f32 v8, v4  }
0xa4: {  	v6 =	vmul.f32 v8, v6;
	[tilespmem:s17+$0x1C00] =	vst v5  }
0xa5: {  	v63 =	vmul.f32 v8, v11;
	[tilespmem:s17+$0x1C10] =	vst v4  }
0xa6: {  	v5 =	vmul.f32 v8, v7;
	[tilespmem:s17+$0x1C20] =	vst v6  }
0xa7: {  	v4 =	vmul.f32 v8, v10;
	[tilespmem:s17+$0x1C50] =	vst v63  }
0xa8: {  	[tilespmem:s17+$0x1C30] =	vst v5;
	v5 =	vmul.f32 v8, v12  }
0xa9: {  	s14 =	sadd.s32 s5, s14;
	s13 =	sadd.s32 $0x1, s13;
	[tilespmem:s17+$0x1C40] =	vst v4;
	v4 =	vmul.f32 v8, v13  }
0xaa: {  	s14 =	sshll.u32 s14, $0x4;
	p0 =	sne.s32 s13, $0x32;
	[tilespmem:s17+$0x1C60] =	vst v5  }
.Ltmp1:
0xab: {  	s14 =	sadd.s32 s3, s14;
	[tilespmem:s17+$0x1C70] =	vst v4;
	(pc) =	sbr.rel @p0 .LBB2_2-.Ltmp1, $4  }
0xac: {  	[hbm4b:s14+s4] =	stream.linear.scatter [tilespmem:s10], [sflag:$0x2], $0x4000, $0x38;
	[tilespmem:$0x5C00] =	vst v63  }
0xad: {  	_ =	swait.ge [sflag:s8], $0x4000  }
0xae: {  	[sflag:s8] =	ssyncset.done $0x0  }
0xaf: {  	[sflag:s8] =	ssyncadd.s32 $0xFFFFC000  }
0xb0: {  	s12 =	sadd.s32 $0x1, s12  }
0xb1: {  	p0 =	sne.s32 s12, s7  }
.Ltmp2:
0xb2: {  	_ = 	snop;
	(pc) =	sbr.rel @p0 .LBB2_1-.Ltmp2, $1  }
0xb3: {  	_ =	sdelay $0x3  }
0xb4: {  	_ =	sfence.sel $0x180000  }
0xb5: {  	[bflag:$0x0] =	sbarrier.arrive $0xFFFF  }
0xb6: {  	p0 =	sne.s32 s0, $0x0;
	_ =	strace $0x90000047  }
0xb7: {  	s0 =	sadd.s32 @!p0 $0x100000, s2;
	[bflag:$0x2] =	sbarrier.arrive $0xFFFF  }
0xb8: {  	[sflag:s0] =	ssyncadd.tile.s32 @!p0 $0x1;
	_ =	shalt  }
.Lfunc_end2:
_tile_overlayer_lowered:
.L_overlay_start_2:
0xb9: {  	(tag) =	ssettag $0x2  }
0xba: {  	s0 =	rddreg [dreg:$0x0];
	s2 =	stileid.u32  }
0xbb: {  	s1 =	rddreg [dreg:$0x1];
	p0 =	sne.s32 s2, $0x0  }
0xbc: {  	s3 =	rddreg [dreg:$0x2];
	[bflag:$0x3] =	sbarrier.arrive $0xFFFF;
	s2 =	simm.s32 @!p0 $0x1C02  }
0xbd: {  	[timem:s3], [sflag:s2] =	dma.local @!p0 [hbm:s0], s1  }
0xbe: {  	s0 =	simm.s32 @!p0 $0x2  }
0xbf: {  	_ =	swait.ge @!p0 [sflag:s0], s1  }
0xc0: {  	s1 =	ssub.s32 @!p0 $0x0, s1;
	[sflag:s0] =	ssyncset.done @!p0 $0x0  }
0xc1: {  	[sflag:s0] =	ssyncadd.s32 @!p0 s1  }
0xc2: {  	[bflag:$0x3] =	sbarrier.arrive $0xFFFF  }
0xc3: {  	_ =	shalt  }

</sc_bundles>
